<compile_context>
chip_gen: v7x
topology: tpu7x:2x2x1
jax: 0.10.2.dev20260603
libtpu: 0.0.44.dev20260713+nightly
codegen_flags: <defaults>
</compile_context>

<pallas_src>
import jax
import jax.numpy as jnp
from jax import lax
from jax.experimental import pallas as pl
from jax.experimental.pallas import tpu as pltpu
from jax.experimental.pallas import tpu_sc as plsc

NWORDS = 1000000
NTAGS = 1000
EMB = 64
HID = 512
L = 16384
NW = 32
B_PER_W = L // NW

BC = 32768
KSTEPS = (NWORDS + BC - 1) // BC
REGION = KSTEPS * BC
STRIPE = 65536
LAST_SID = 15
LAST_LEN = NWORDS - LAST_SID * STRIPE


def _sc_body(words_hbm, zeros_hbm, m_hbm, idx_v, ones_v, m_shared, sem):
    cid = lax.axis_index("c")
    sid = lax.axis_index("s")
    w = sid * 2 + cid

    stage = pltpu.async_copy(words_hbm.at[pl.ds(w * B_PER_W, B_PER_W)],
                             idx_v, sem)

    ov = jnp.ones((16,), jnp.float32)

    @pl.loop(0, B_PER_W // 16, unroll=8)
    def _ones(r):
        ones_v[pl.ds(r * 16, 16)] = ov

    @pl.when(sid < LAST_SID)
    def _():
        pltpu.sync_copy(zeros_hbm, m_shared.at[pl.ds(sid * STRIPE, STRIPE)])

    @pl.when(sid == LAST_SID)
    def _():
        pltpu.sync_copy(zeros_hbm.at[pl.ds(0, LAST_LEN)],
                        m_shared.at[pl.ds(LAST_SID * STRIPE, LAST_LEN)])

    stage.wait()
    plsc.subcore_barrier()

    pltpu.sync_copy(ones_v, m_shared.at[idx_v], add=True)
    plsc.subcore_barrier()

    out0 = cid * REGION

    @pl.when(sid < LAST_SID)
    def _():
        pltpu.sync_copy(m_shared.at[pl.ds(sid * STRIPE, STRIPE)],
                        m_hbm.at[pl.ds(out0 + sid * STRIPE, STRIPE)])

    @pl.when(sid == LAST_SID)
    def _():
        pltpu.sync_copy(m_shared.at[pl.ds(LAST_SID * STRIPE, LAST_LEN)],
                        m_hbm.at[pl.ds(out0 + LAST_SID * STRIPE, LAST_LEN)])


def _make_sc_counts():
    mesh = plsc.VectorSubcoreMesh(core_axis_name="c", subcore_axis_name="s")
    return pl.kernel(
        _sc_body,
        out_type=jax.ShapeDtypeStruct((2 * REGION,), jnp.float32),
        mesh=mesh,
        scratch_types=[
            pltpu.VMEM((B_PER_W,), jnp.int32),
            pltpu.VMEM((B_PER_W,), jnp.float32),
            pltpu.VMEM_SHARED((NWORDS,), jnp.float32),
            pltpu.SemaphoreType.DMA,
        ],
        compiler_params=pltpu.CompilerParams(use_tc_tiling_on_sc=False),
    )


def _mv_body(emt_ref, m0_ref, m1_ref, w0_ref, b0_ref, w1_ref, b1_ref,
             wout_ref, bout_ref, out_ref, acc_ref):
    k = pl.program_id(0)

    @pl.when(k == 0)
    def _():
        acc_ref[...] = jnp.zeros_like(acc_ref)

    @pl.when(k < KSTEPS - 1)
    def _():
        mv = (m0_ref[...] + m1_ref[...]).reshape(1, BC)
        acc_ref[...] += lax.dot_general(
            mv, emt_ref[...],
            (((1,), (1,)), ((), ())), preferred_element_type=jnp.float32)

    @pl.when(k == KSTEPS - 1)
    def _():
        cols = k * BC + lax.broadcasted_iota(jnp.int32, (1, BC), 1)
        valid = cols < NWORDS
        mv = jnp.where(valid, (m0_ref[...] + m1_ref[...]).reshape(1, BC), 0.0)
        eb = jnp.where(valid, emt_ref[...], 0.0)
        s = acc_ref[...] + lax.dot_general(
            mv, eb, (((1,), (1,)), ((), ())),
            preferred_element_type=jnp.float32)
        h = jnp.tanh(
            lax.dot_general(s, w0_ref[...], (((1,), (1,)), ((), ())),
                            preferred_element_type=jnp.float32,
                            precision=lax.Precision.HIGHEST) + b0_ref[...])
        h = jnp.tanh(
            lax.dot_general(h, w1_ref[...], (((1,), (1,)), ((), ())),
                            preferred_element_type=jnp.float32,
                            precision=lax.Precision.HIGHEST) + b1_ref[...])
        out_ref[...] = lax.dot_general(
            h, wout_ref[...], (((1,), (1,)), ((), ())),
            preferred_element_type=jnp.float32,
            precision=lax.Precision.HIGHEST) + bout_ref[...]


_mv_call = pl.pallas_call(
    _mv_body,
    grid=(KSTEPS,),
    in_specs=[
        pl.BlockSpec((EMB, BC), lambda k: (0, k)),
        pl.BlockSpec((BC,), lambda k: (k,)),
        pl.BlockSpec((BC,), lambda k: (KSTEPS + k,)),
        pl.BlockSpec((HID, EMB), lambda k: (0, 0)),
        pl.BlockSpec((1, HID), lambda k: (0, 0)),
        pl.BlockSpec((HID, HID), lambda k: (0, 0)),
        pl.BlockSpec((1, HID), lambda k: (0, 0)),
        pl.BlockSpec((NTAGS, HID), lambda k: (0, 0)),
        pl.BlockSpec((1, NTAGS), lambda k: (0, 0)),
    ],
    out_specs=pl.BlockSpec((1, NTAGS), lambda k: (0, 0)),
    out_shape=jax.ShapeDtypeStruct((1, NTAGS), jnp.float32),
    scratch_shapes=[pltpu.VMEM((1, EMB), jnp.float32)],
)


@jax.jit
def kernel(words, emb, W0, b0, W1, b1, Wout, bout):
    words1 = words.astype(jnp.int32)
    zeros = jnp.zeros((STRIPE,), jnp.float32)
    m = _make_sc_counts()(words1, zeros)
    emt = emb.T
    return _mv_call(emt, m, m, W0, b0.reshape(1, HID), W1,
                    b1.reshape(1, HID), Wout, bout.reshape(1, NTAGS))

# --- scband reference (transcript-rebuilt; emitter-appended) ---
"""Pipeline reference for scband-deep-cbo-w-40209483825768 (READ-ONLY COPY).

The authoritative reference and input builder live on the scoring server;
editing this copy changes nothing except your own understanding.
"""

import jax, jax.numpy as jnp
import numpy as np

NWORDS = 1000000
NTAGS = 1000
EMB = 64
HID = 512


def setup_inputs(seed: int = 0) -> dict:
    key = jax.random.key(seed)
    ks = jax.random.split(key, 8)
    words = jax.random.randint(ks[0], (16384,), 0, NWORDS, dtype=jnp.int64 if jax.config.jax_enable_x64 else jnp.int32)
    emb = jax.random.normal(ks[1], (NWORDS, EMB), dtype=jnp.float32) * (2.0 / (NWORDS + EMB)) ** 0.5
    W0 = jax.random.normal(ks[2], (HID, EMB), dtype=jnp.float32) * (2.0 / (EMB + HID)) ** 0.5
    b0 = jnp.zeros((HID,), dtype=jnp.float32)
    W1 = jax.random.normal(ks[3], (HID, HID), dtype=jnp.float32) * (2.0 / (HID + HID)) ** 0.5
    b1 = jnp.zeros((HID,), dtype=jnp.float32)
    Wout = jax.random.normal(ks[4], (NTAGS, HID), dtype=jnp.float32) * (2.0 / (HID + NTAGS)) ** 0.5
    bout = jnp.zeros((NTAGS,), dtype=jnp.float32)
    return {"words": words, "emb": emb, "W0": W0, "b0": b0, "W1": W1, "b1": b1, "Wout": Wout, "bout": bout}


def reference(words, emb, W0, b0, W1, b1, Wout, bout):
    # embedding lookup (gather) -> SparseCore-style op
    e = jnp.take(emb, words, axis=0)            # [L, EMB]
    emb_sum = jnp.sum(e, axis=0)                # [EMB]
    h = emb_sum.reshape(1, -1)                  # [1, EMB]
    h = jnp.tanh(h @ W0.T + b0)                 # layer 0
    h = jnp.tanh(h @ W1.T + b1)                 # layer 1
    out = h @ Wout.T + bout                     # [1, NTAGS]
    return out

if __name__ == "__main__":
    import jax
    _d = setup_inputs()
    print(jax.jit(kernel)(*tuple(_d.values())))

</pallas_src>

<mosaic_0001>
#map = affine_map<(d0, d1) -> (0)>
module attributes {stable_mosaic.version = 14 : i64} {
  func.func @_sc_body(%arg0: i32, %arg1: i32, %arg2: memref<16384xi32, #tpu.memory_space<hbm>>, %arg3: memref<65536xf32, #tpu.memory_space<hbm>>, %arg4: memref<2031616xf32, #tpu.memory_space<hbm>>, %arg5: memref<512xi32, #tpu.memory_space<vmem>>, %arg6: memref<512xf32, #tpu.memory_space<vmem>>, %arg7: memref<1000000xf32, #tpu.memory_space<vmem_shared>>, %arg8: memref<!tpu.dma_semaphore, #tpu.memory_space<semaphore_mem>>) attributes {dimension_semantics = [#tpu.dimension_semantics<core_parallel>, #tpu.dimension_semantics<subcore_parallel>], iteration_bounds = array<i64: 2, 16>, scalar_prefetch = 0 : i64, scratch_operands = 4 : i64, tpu.core_type = #tpu.core_type<sc_vector_subcore>, window_params = [{transform_indices = #map}, {transform_indices = #map}, {transform_indices = #map}]} {
    %mul3A = arith.constant 2 : i32
    %mul3A_0 = arith.muli %arg1, %mul3A : i32
    %add3A = arith.addi %mul3A_0, %arg0 : i32
    %mul3A_1 = arith.constant 512 : i32
    %mul3A_2 = arith.muli %add3A, %mul3A_1 : i32
    %dma_start3A = tpu.memref_slice %arg2[%mul3A_2] : memref<16384xi32, #tpu.memory_space<hbm>> -> memref<512xi32, #tpu.memory_space<hbm>>
    %dma_start3A_3 = tpu.memref_slice %arg2[%mul3A_2] : memref<16384xi32, #tpu.memory_space<hbm>> -> memref<512xi32, #tpu.memory_space<hbm>>
    tpu.enqueue_dma source(%dma_start3A_3 : memref<512xi32, #tpu.memory_space<hbm>>) target(%arg5 : memref<512xi32, #tpu.memory_space<vmem>>) target_semaphore(%arg8 : memref<!tpu.dma_semaphore, #tpu.memory_space<semaphore_mem>>)
    %broadcast_in_dim3A = arith.constant 1.000000e+00 : f32
    %broadcast_in_dim3A_4 = vector.broadcast %broadcast_in_dim3A : f32 to vector<16xf32>
    %scan3A = arith.constant 0 : i32
    %scan3A_5 = arith.constant 32 : i32
    %scan3A_6 = arith.addi %scan3A, %scan3A_5 : i32
    %scan3A_7 = arith.constant 8 : i32
    scf.for %scan3A_29 = %scan3A to %scan3A_6 step %scan3A_7  : i32 {
      %mul3A_30 = arith.constant 1 : i32
      %mul3A_31 = arith.muli %scan3A_29, %mul3A_30 : i32
      %add3A_32 = arith.constant 0 : i32
      %add3A_33 = arith.addi %add3A_32, %mul3A_31 : i32
      %mul3A_34 = arith.constant 16 : i32
      %mul3A_35 = arith.muli %add3A_33, %mul3A_34 : i32
      %swap3A = arith.index_cast %mul3A_35 : i32 to index
      %swap3A_36 = tpu.vector_load %arg6[%swap3A] {strides = array<i32>} : memref<512xf32, #tpu.memory_space<vmem>>, vector<16xf32>,
      %swap3A_37 = vector.shape_cast %swap3A_36 : vector<16xf32> to vector<16xf32>
      %swap3A_38 = vector.shape_cast %broadcast_in_dim3A_4 : vector<16xf32> to vector<16xf32>
      tpu.vector_store %arg6[%swap3A], %swap3A_38 {strides = array<i32>} : memref<512xf32, #tpu.memory_space<vmem>>, vector<16xf32>,
      %scan3A_39 = arith.constant 1 : i32
      %scan3A_40 = arith.addi %scan3A_29, %scan3A_39 : i32
      %mul3A_41 = arith.constant 1 : i32
      %mul3A_42 = arith.muli %scan3A_40, %mul3A_41 : i32
      %add3A_43 = arith.constant 0 : i32
      %add3A_44 = arith.addi %add3A_43, %mul3A_42 : i32
      %mul3A_45 = arith.constant 16 : i32
      %mul3A_46 = arith.muli %add3A_44, %mul3A_45 : i32
      %swap3A_47 = arith.index_cast %mul3A_46 : i32 to index
      %swap3A_48 = tpu.vector_load %arg6[%swap3A_47] {strides = array<i32>} : memref<512xf32, #tpu.memory_space<vmem>>, vector<16xf32>,
      %swap3A_49 = vector.shape_cast %swap3A_48 : vector<16xf32> to vector<16xf32>
      %swap3A_50 = vector.shape_cast %broadcast_in_dim3A_4 : vector<16xf32> to vector<16xf32>
      tpu.vector_store %arg6[%swap3A_47], %swap3A_50 {strides = array<i32>} : memref<512xf32, #tpu.memory_space<vmem>>, vector<16xf32>,
      %scan3A_51 = arith.constant 2 : i32
      %scan3A_52 = arith.addi %scan3A_29, %scan3A_51 : i32
      %mul3A_53 = arith.constant 1 : i32
      %mul3A_54 = arith.muli %scan3A_52, %mul3A_53 : i32
      %add3A_55 = arith.constant 0 : i32
      %add3A_56 = arith.addi %add3A_55, %mul3A_54 : i32
      %mul3A_57 = arith.constant 16 : i32
      %mul3A_58 = arith.muli %add3A_56, %mul3A_57 : i32
      %swap3A_59 = arith.index_cast %mul3A_58 : i32 to index
      %swap3A_60 = tpu.vector_load %arg6[%swap3A_59] {strides = array<i32>} : memref<512xf32, #tpu.memory_space<vmem>>, vector<16xf32>,
      %swap3A_61 = vector.shape_cast %swap3A_60 : vector<16xf32> to vector<16xf32>
      %swap3A_62 = vector.shape_cast %broadcast_in_dim3A_4 : vector<16xf32> to vector<16xf32>
      tpu.vector_store %arg6[%swap3A_59], %swap3A_62 {strides = array<i32>} : memref<512xf32, #tpu.memory_space<vmem>>, vector<16xf32>,
      %scan3A_63 = arith.constant 3 : i32
      %scan3A_64 = arith.addi %scan3A_29, %scan3A_63 : i32
      %mul3A_65 = arith.constant 1 : i32
      %mul3A_66 = arith.muli %scan3A_64, %mul3A_65 : i32
      %add3A_67 = arith.constant 0 : i32
      %add3A_68 = arith.addi %add3A_67, %mul3A_66 : i32
      %mul3A_69 = arith.constant 16 : i32
      %mul3A_70 = arith.muli %add3A_68, %mul3A_69 : i32
      %swap3A_71 = arith.index_cast %mul3A_70 : i32 to index
      %swap3A_72 = tpu.vector_load %arg6[%swap3A_71] {strides = array<i32>} : memref<512xf32, #tpu.memory_space<vmem>>, vector<16xf32>,
      %swap3A_73 = vector.shape_cast %swap3A_72 : vector<16xf32> to vector<16xf32>
      %swap3A_74 = vector.shape_cast %broadcast_in_dim3A_4 : vector<16xf32> to vector<16xf32>
      tpu.vector_store %arg6[%swap3A_71], %swap3A_74 {strides = array<i32>} : memref<512xf32, #tpu.memory_space<vmem>>, vector<16xf32>,
      %scan3A_75 = arith.constant 4 : i32
      %scan3A_76 = arith.addi %scan3A_29, %scan3A_75 : i32
      %mul3A_77 = arith.constant 1 : i32
      %mul3A_78 = arith.muli %scan3A_76, %mul3A_77 : i32
      %add3A_79 = arith.constant 0 : i32
      %add3A_80 = arith.addi %add3A_79, %mul3A_78 : i32
      %mul3A_81 = arith.constant 16 : i32
      %mul3A_82 = arith.muli %add3A_80, %mul3A_81 : i32
      %swap3A_83 = arith.index_cast %mul3A_82 : i32 to index
      %swap3A_84 = tpu.vector_load %arg6[%swap3A_83] {strides = array<i32>} : memref<512xf32, #tpu.memory_space<vmem>>, vector<16xf32>,
      %swap3A_85 = vector.shape_cast %swap3A_84 : vector<16xf32> to vector<16xf32>
      %swap3A_86 = vector.shape_cast %broadcast_in_dim3A_4 : vector<16xf32> to vector<16xf32>
      tpu.vector_store %arg6[%swap3A_83], %swap3A_86 {strides = array<i32>} : memref<512xf32, #tpu.memory_space<vmem>>, vector<16xf32>,
      %scan3A_87 = arith.constant 5 : i32
      %scan3A_88 = arith.addi %scan3A_29, %scan3A_87 : i32
      %mul3A_89 = arith.constant 1 : i32
      %mul3A_90 = arith.muli %scan3A_88, %mul3A_89 : i32
      %add3A_91 = arith.constant 0 : i32
      %add3A_92 = arith.addi %add3A_91, %mul3A_90 : i32
      %mul3A_93 = arith.constant 16 : i32
      %mul3A_94 = arith.muli %add3A_92, %mul3A_93 : i32
      %swap3A_95 = arith.index_cast %mul3A_94 : i32 to index
      %swap3A_96 = tpu.vector_load %arg6[%swap3A_95] {strides = array<i32>} : memref<512xf32, #tpu.memory_space<vmem>>, vector<16xf32>,
      %swap3A_97 = vector.shape_cast %swap3A_96 : vector<16xf32> to vector<16xf32>
      %swap3A_98 = vector.shape_cast %broadcast_in_dim3A_4 : vector<16xf32> to vector<16xf32>
      tpu.vector_store %arg6[%swap3A_95], %swap3A_98 {strides = array<i32>} : memref<512xf32, #tpu.memory_space<vmem>>, vector<16xf32>,
      %scan3A_99 = arith.constant 6 : i32
      %scan3A_100 = arith.addi %scan3A_29, %scan3A_99 : i32
      %mul3A_101 = arith.constant 1 : i32
      %mul3A_102 = arith.muli %scan3A_100, %mul3A_101 : i32
      %add3A_103 = arith.constant 0 : i32
      %add3A_104 = arith.addi %add3A_103, %mul3A_102 : i32
      %mul3A_105 = arith.constant 16 : i32
      %mul3A_106 = arith.muli %add3A_104, %mul3A_105 : i32
      %swap3A_107 = arith.index_cast %mul3A_106 : i32 to index
      %swap3A_108 = tpu.vector_load %arg6[%swap3A_107] {strides = array<i32>} : memref<512xf32, #tpu.memory_space<vmem>>, vector<16xf32>,
      %swap3A_109 = vector.shape_cast %swap3A_108 : vector<16xf32> to vector<16xf32>
      %swap3A_110 = vector.shape_cast %broadcast_in_dim3A_4 : vector<16xf32> to vector<16xf32>
      tpu.vector_store %arg6[%swap3A_107], %swap3A_110 {strides = array<i32>} : memref<512xf32, #tpu.memory_space<vmem>>, vector<16xf32>,
      %scan3A_111 = arith.constant 7 : i32
      %scan3A_112 = arith.addi %scan3A_29, %scan3A_111 : i32
      %mul3A_113 = arith.constant 1 : i32
      %mul3A_114 = arith.muli %scan3A_112, %mul3A_113 : i32
      %add3A_115 = arith.constant 0 : i32
      %add3A_116 = arith.addi %add3A_115, %mul3A_114 : i32
      %mul3A_117 = arith.constant 16 : i32
      %mul3A_118 = arith.muli %add3A_116, %mul3A_117 : i32
      %swap3A_119 = arith.index_cast %mul3A_118 : i32 to index
      %swap3A_120 = tpu.vector_load %arg6[%swap3A_119] {strides = array<i32>} : memref<512xf32, #tpu.memory_space<vmem>>, vector<16xf32>,
      %swap3A_121 = vector.shape_cast %swap3A_120 : vector<16xf32> to vector<16xf32>
      %swap3A_122 = vector.shape_cast %broadcast_in_dim3A_4 : vector<16xf32> to vector<16xf32>
      tpu.vector_store %arg6[%swap3A_119], %swap3A_122 {strides = array<i32>} : memref<512xf32, #tpu.memory_space<vmem>>, vector<16xf32>,
    }
    %scan3A_8 = arith.constant 32 : i32
    %lt3A = arith.constant 15 : i32
    %lt3A_9 = arith.cmpi slt, %arg1, %lt3A : i32
    %convert_element_type3A = arith.extui %lt3A_9 : i1 to i32
    %cond3A = arith.constant 0 : i32
    %cond3A_10 = arith.cmpi ne, %convert_element_type3A, %cond3A : i32
    scf.if %cond3A_10 {
      %mul3A_29 = arith.constant 65536 : i32
      %mul3A_30 = arith.muli %arg1, %mul3A_29 : i32
      "tpu.region"() ({
        %run_scoped3A = tpu.sem_alloc : memref<!tpu.dma_semaphore, #tpu.memory_space<semaphore_mem>>
        %dma_start3A_31 = tpu.memref_slice %arg7[%mul3A_30] : memref<1000000xf32, #tpu.memory_space<vmem_shared>> -> memref<65536xf32, #tpu.memory_space<vmem_shared>>
        tpu.enqueue_dma source(%arg3 : memref<65536xf32, #tpu.memory_space<hbm>>) target(%dma_start3A_31 : memref<65536xf32, #tpu.memory_space<vmem_shared>>) target_semaphore(%run_scoped3A : memref<!tpu.dma_semaphore, #tpu.memory_space<semaphore_mem>>)
        %dma_wait3A_32 = tpu.memref_slice %arg7[%mul3A_30] : memref<1000000xf32, #tpu.memory_space<vmem_shared>> -> memref<65536xf32, #tpu.memory_space<vmem_shared>>
        tpu.wait_dma2 semaphore(%run_scoped3A : memref<!tpu.dma_semaphore, #tpu.memory_space<semaphore_mem>>) src(%arg3 : memref<65536xf32, #tpu.memory_space<hbm>>) dst(%dma_wait3A_32 : memref<65536xf32, #tpu.memory_space<vmem_shared>>)
        tpu.yield
      }) : () -> ()
    } else {
    }
    %eq3A = arith.constant 15 : i32
    %eq3A_11 = arith.cmpi eq, %arg1, %eq3A : i32
    %convert_element_type3A_12 = arith.extui %eq3A_11 : i1 to i32
    %cond3A_13 = arith.constant 0 : i32
    %cond3A_14 = arith.cmpi ne, %convert_element_type3A_12, %cond3A_13 : i32
    scf.if %cond3A_14 {
      "tpu.region"() ({
        %run_scoped3A = tpu.sem_alloc : memref<!tpu.dma_semaphore, #tpu.memory_space<semaphore_mem>>
        %dma_start3A_29 = arith.constant 983040 : i32
        %dma_start3A_30 = tpu.memref_slice %arg7[%dma_start3A_29] : memref<1000000xf32, #tpu.memory_space<vmem_shared>> -> memref<16960xf32, #tpu.memory_space<vmem_shared>>
        %dma_start3A_31 = arith.constant 0 : i32
        %dma_start3A_32 = tpu.memref_slice %arg3[%dma_start3A_31] : memref<65536xf32, #tpu.memory_space<hbm>> -> memref<16960xf32, #tpu.memory_space<hbm>>
        tpu.enqueue_dma source(%dma_start3A_32 : memref<16960xf32, #tpu.memory_space<hbm>>) target(%dma_start3A_30 : memref<16960xf32, #tpu.memory_space<vmem_shared>>) target_semaphore(%run_scoped3A : memref<!tpu.dma_semaphore, #tpu.memory_space<semaphore_mem>>)
        %dma_wait3A_33 = arith.constant 983040 : i32
        %dma_wait3A_34 = tpu.memref_slice %arg7[%dma_wait3A_33] : memref<1000000xf32, #tpu.memory_space<vmem_shared>> -> memref<16960xf32, #tpu.memory_space<vmem_shared>>
        %dma_wait3A_35 = arith.constant 0 : i32
        %dma_wait3A_36 = tpu.memref_slice %arg3[%dma_wait3A_35] : memref<65536xf32, #tpu.memory_space<hbm>> -> memref<16960xf32, #tpu.memory_space<hbm>>
        tpu.wait_dma2 semaphore(%run_scoped3A : memref<!tpu.dma_semaphore, #tpu.memory_space<semaphore_mem>>) src(%dma_wait3A_36 : memref<16960xf32, #tpu.memory_space<hbm>>) dst(%dma_wait3A_34 : memref<16960xf32, #tpu.memory_space<vmem_shared>>)
        tpu.yield
      }) : () -> ()
    } else {
    }
    %dma_wait3A = tpu.memref_slice %arg2[%mul3A_2] : memref<16384xi32, #tpu.memory_space<hbm>> -> memref<512xi32, #tpu.memory_space<hbm>>
    %dma_wait3A_15 = tpu.memref_slice %arg2[%mul3A_2] : memref<16384xi32, #tpu.memory_space<hbm>> -> memref<512xi32, #tpu.memory_space<hbm>>
    tpu.wait_dma2 semaphore(%arg8 : memref<!tpu.dma_semaphore, #tpu.memory_space<semaphore_mem>>) src(%dma_wait3A_15 : memref<512xi32, #tpu.memory_space<hbm>>) dst(%arg5 : memref<512xi32, #tpu.memory_space<vmem>>)
    %barrier3A = arith.constant 0 : index
    tpu.barrier barrier_id(%barrier3A)
    "tpu.region"() ({
      %run_scoped3A = tpu.sem_alloc : memref<!tpu.dma_semaphore, #tpu.memory_space<semaphore_mem>>
      %dma_start3A_29 = arith.constant 0 : i32
      %dma_start3A_30 = tpu.memref_slice %arg7[%dma_start3A_29] : memref<1000000xf32, #tpu.memory_space<vmem_shared>> -> memref<1000000xf32, #tpu.memory_space<vmem_shared>>
      tpu.enqueue_indirect_dma source(%arg6 : memref<512xf32, #tpu.memory_space<vmem>>) target(%dma_start3A_30 : memref<1000000xf32, #tpu.memory_space<vmem_shared>>) offsets(%arg5 : memref<512xi32, #tpu.memory_space<vmem>>) semaphore(%run_scoped3A : memref<!tpu.dma_semaphore, #tpu.memory_space<semaphore_mem>>) {add = true}
      %dma_wait3A_31 = arith.constant 0 : i32
      %dma_wait3A_32 = tpu.memref_slice %arg7[%dma_wait3A_31] : memref<1000000xf32, #tpu.memory_space<vmem_shared>> -> memref<1000000xf32, #tpu.memory_space<vmem_shared>>
      tpu.wait_indirect_dma semaphore(%run_scoped3A : memref<!tpu.dma_semaphore, #tpu.memory_space<semaphore_mem>>) src(%arg6 : memref<512xf32, #tpu.memory_space<vmem>>) dst(%dma_wait3A_32 : memref<1000000xf32, #tpu.memory_space<vmem_shared>>)
      tpu.yield
    }) : () -> ()
    %barrier3A_16 = arith.constant 0 : index
    tpu.barrier barrier_id(%barrier3A_16)
    %mul3A_17 = arith.constant 1015808 : i32
    %mul3A_18 = arith.muli %arg0, %mul3A_17 : i32
    %lt3A_19 = arith.constant 15 : i32
    %lt3A_20 = arith.cmpi slt, %arg1, %lt3A_19 : i32
    %convert_element_type3A_21 = arith.extui %lt3A_20 : i1 to i32
    %cond3A_22 = arith.constant 0 : i32
    %cond3A_23 = arith.cmpi ne, %convert_element_type3A_21, %cond3A_22 : i32
    scf.if %cond3A_23 {
      %mul3A_29 = arith.constant 65536 : i32
      %mul3A_30 = arith.muli %arg1, %mul3A_29 : i32
      %mul3A_31 = arith.constant 65536 : i32
      %mul3A_32 = arith.muli %arg1, %mul3A_31 : i32
      %add3A_33 = arith.addi %mul3A_18, %mul3A_32 : i32
      "tpu.region"() ({
        %run_scoped3A = tpu.sem_alloc : memref<!tpu.dma_semaphore, #tpu.memory_space<semaphore_mem>>
        %dma_start3A_34 = tpu.memref_slice %arg4[%add3A_33] : memref<2031616xf32, #tpu.memory_space<hbm>> -> memref<65536xf32, #tpu.memory_space<hbm>>
        %dma_start3A_35 = tpu.memref_slice %arg7[%mul3A_30] : memref<1000000xf32, #tpu.memory_space<vmem_shared>> -> memref<65536xf32, #tpu.memory_space<vmem_shared>>
        tpu.enqueue_dma source(%dma_start3A_35 : memref<65536xf32, #tpu.memory_space<vmem_shared>>) target(%dma_start3A_34 : memref<65536xf32, #tpu.memory_space<hbm>>) target_semaphore(%run_scoped3A : memref<!tpu.dma_semaphore, #tpu.memory_space<semaphore_mem>>)
        %dma_wait3A_36 = tpu.memref_slice %arg4[%add3A_33] : memref<2031616xf32, #tpu.memory_space<hbm>> -> memref<65536xf32, #tpu.memory_space<hbm>>
        %dma_wait3A_37 = tpu.memref_slice %arg7[%mul3A_30] : memref<1000000xf32, #tpu.memory_space<vmem_shared>> -> memref<65536xf32, #tpu.memory_space<vmem_shared>>
        tpu.wait_dma2 semaphore(%run_scoped3A : memref<!tpu.dma_semaphore, #tpu.memory_space<semaphore_mem>>) src(%dma_wait3A_37 : memref<65536xf32, #tpu.memory_space<vmem_shared>>) dst(%dma_wait3A_36 : memref<65536xf32, #tpu.memory_space<hbm>>)
        tpu.yield
      }) : () -> ()
    } else {
    }
    %eq3A_24 = arith.constant 15 : i32
    %eq3A_25 = arith.cmpi eq, %arg1, %eq3A_24 : i32
    %convert_element_type3A_26 = arith.extui %eq3A_25 : i1 to i32
    %cond3A_27 = arith.constant 0 : i32
    %cond3A_28 = arith.cmpi ne, %convert_element_type3A_26, %cond3A_27 : i32
    scf.if %cond3A_28 {
      %add3A_29 = arith.constant 983040 : i32
      %add3A_30 = arith.addi %mul3A_18, %add3A_29 : i32
      "tpu.region"() ({
        %run_scoped3A = tpu.sem_alloc : memref<!tpu.dma_semaphore, #tpu.memory_space<semaphore_mem>>
        %dma_start3A_31 = tpu.memref_slice %arg4[%add3A_30] : memref<2031616xf32, #tpu.memory_space<hbm>> -> memref<16960xf32, #tpu.memory_space<hbm>>
        %dma_start3A_32 = arith.constant 983040 : i32
        %dma_start3A_33 = tpu.memref_slice %arg7[%dma_start3A_32] : memref<1000000xf32, #tpu.memory_space<vmem_shared>> -> memref<16960xf32, #tpu.memory_space<vmem_shared>>
        tpu.enqueue_dma source(%dma_start3A_33 : memref<16960xf32, #tpu.memory_space<vmem_shared>>) target(%dma_start3A_31 : memref<16960xf32, #tpu.memory_space<hbm>>) target_semaphore(%run_scoped3A : memref<!tpu.dma_semaphore, #tpu.memory_space<semaphore_mem>>)
        %dma_wait3A_34 = tpu.memref_slice %arg4[%add3A_30] : memref<2031616xf32, #tpu.memory_space<hbm>> -> memref<16960xf32, #tpu.memory_space<hbm>>
        %dma_wait3A_35 = arith.constant 983040 : i32
        %dma_wait3A_36 = tpu.memref_slice %arg7[%dma_wait3A_35] : memref<1000000xf32, #tpu.memory_space<vmem_shared>> -> memref<16960xf32, #tpu.memory_space<vmem_shared>>
        tpu.wait_dma2 semaphore(%run_scoped3A : memref<!tpu.dma_semaphore, #tpu.memory_space<semaphore_mem>>) src(%dma_wait3A_36 : memref<16960xf32, #tpu.memory_space<vmem_shared>>) dst(%dma_wait3A_34 : memref<16960xf32, #tpu.memory_space<hbm>>)
        tpu.yield
      }) : () -> ()
    } else {
    }
    return
  }
}

module attributes {stable_mosaic.version = 14 : i64} {
  func.func @_mv_body(%arg0: i32, %arg1: memref<64x32768xf32, #tpu.memory_space<vmem>>, %arg2: memref<32768xf32, #tpu.memory_space<vmem>>, %arg3: memref<32768xf32, #tpu.memory_space<vmem>>, %arg4: memref<512x64xf32, #tpu.memory_space<vmem>>, %arg5: memref<1x512xf32, #tpu.memory_space<vmem>>, %arg6: memref<512x512xf32, #tpu.memory_space<vmem>>, %arg7: memref<1x512xf32, #tpu.memory_space<vmem>>, %arg8: memref<1000x512xf32, #tpu.memory_space<vmem>>, %arg9: memref<1x1000xf32, #tpu.memory_space<vmem>>, %arg10: memref<1x1000xf32, #tpu.memory_space<vmem>>, %arg11: memref<1x64xf32, #tpu.memory_space<vmem>>) attributes {dimension_semantics = [#tpu.dimension_semantics<arbitrary>], iteration_bounds = array<i64: 31>, scalar_prefetch = 0 : i64, scratch_operands = 1 : i64, tpu.core_type = #tpu.core_type<tc>, window_params = [{transform_indices = @transform_0, window_bounds = array<i64: 64, 32768>}, {transform_indices = @transform_1, window_bounds = array<i64: 32768>}, {transform_indices = @transform_2, window_bounds = array<i64: 32768>}, {pipeline_mode = #tpu.pipeline_mode<synchronous>, transform_indices = @transform_3, window_bounds = array<i64: 512, 64>}, {pipeline_mode = #tpu.pipeline_mode<synchronous>, transform_indices = @transform_4, window_bounds = array<i64: 1, 512>}, {pipeline_mode = #tpu.pipeline_mode<synchronous>, transform_indices = @transform_5, window_bounds = array<i64: 512, 512>}, {pipeline_mode = #tpu.pipeline_mode<synchronous>, transform_indices = @transform_6, window_bounds = array<i64: 1, 512>}, {pipeline_mode = #tpu.pipeline_mode<synchronous>, transform_indices = @transform_7, window_bounds = array<i64: 1000, 512>}, {pipeline_mode = #tpu.pipeline_mode<synchronous>, transform_indices = @transform_8, window_bounds = array<i64: 1, 1000>}, {pipeline_mode = #tpu.pipeline_mode<synchronous>, transform_indices = @transform_9, window_bounds = array<i64: 1, 1000>}]} {
    %eq3A = arith.constant 0 : i32
    %eq3A_0 = arith.cmpi eq, %arg0, %eq3A : i32
    %convert_element_type3A = arith.extui %eq3A_0 : i1 to i32
    %cond3A = arith.constant 0 : i32
    %cond3A_1 = arith.cmpi ne, %convert_element_type3A, %cond3A : i32
    scf.if %cond3A_1 {
      %broadcast_in_dim3A = arith.constant 0.000000e+00 : f32
      %broadcast_in_dim3A_11 = vector.broadcast %broadcast_in_dim3A : f32 to vector<1x64xf32>
      %swap3A = arith.constant 0 : index
      %swap3A_12 = arith.constant 0 : index
      %swap3A_13 = vector.load %arg11[%swap3A, %swap3A_12] : memref<1x64xf32, #tpu.memory_space<vmem>>, vector<1x64xf32>
      tpu.vector_store %arg11[%swap3A, %swap3A_12], %broadcast_in_dim3A_11 {strides = array<i32>} : memref<1x64xf32, #tpu.memory_space<vmem>>, vector<1x64xf32>,
    } else {
    }
    %lt3A = arith.constant 30 : i32
    %lt3A_2 = arith.cmpi slt, %arg0, %lt3A : i32
    %convert_element_type3A_3 = arith.extui %lt3A_2 : i1 to i32
    %cond3A_4 = arith.constant 0 : i32
    %cond3A_5 = arith.cmpi ne, %convert_element_type3A_3, %cond3A_4 : i32
    scf.if %cond3A_5 {
      %get3A = arith.constant 0 : index
      %get3A_11 = vector.load %arg2[%get3A] : memref<32768xf32, #tpu.memory_space<vmem>>, vector<32768xf32>
      %get3A_12 = arith.constant 0 : index
      %get3A_13 = vector.load %arg3[%get3A_12] : memref<32768xf32, #tpu.memory_space<vmem>>, vector<32768xf32>
      %add3A = arith.addf %get3A_11, %get3A_13 : vector<32768xf32>
      %reshape3A = vector.shape_cast %add3A : vector<32768xf32> to vector<1x32768xf32>
      %get3A_14 = arith.constant 0 : index
      %get3A_15 = arith.constant 0 : index
      %get3A_16 = vector.load %arg11[%get3A_14, %get3A_15] : memref<1x64xf32, #tpu.memory_space<vmem>>, vector<1x64xf32>
      %get3A_17 = arith.constant 0 : index
      %get3A_18 = arith.constant 0 : index
      %get3A_19 = vector.load %arg1[%get3A_17, %get3A_18] : memref<64x32768xf32, #tpu.memory_space<vmem>>, vector<64x32768xf32>
      %dot_general3A = arith.constant dense<0.000000e+00> : vector<1x64xf32>
      %dot_general3A_20 = tpu.matmul %reshape3A, %get3A_19, %dot_general3A {dimension_numbers = #tpu.dot_dimension_numbers<[1], [1], [0], [0], [0, 0, 1, 0], [], []>, transpose_lhs_hint = false} : vector<1x32768xf32>, vector<64x32768xf32>, vector<1x64xf32> -> vector<1x64xf32>
      %add3A_21 = arith.addf %get3A_16, %dot_general3A_20 : vector<1x64xf32>
      %swap3A = arith.constant 0 : index
      %swap3A_22 = arith.constant 0 : index
      %swap3A_23 = vector.load %arg11[%swap3A, %swap3A_22] : memref<1x64xf32, #tpu.memory_space<vmem>>, vector<1x64xf32>
      tpu.vector_store %arg11[%swap3A, %swap3A_22], %add3A_21 {strides = array<i32>} : memref<1x64xf32, #tpu.memory_space<vmem>>, vector<1x64xf32>,
    } else {
    }
    %eq3A_6 = arith.constant 30 : i32
    %eq3A_7 = arith.cmpi eq, %arg0, %eq3A_6 : i32
    %convert_element_type3A_8 = arith.extui %eq3A_7 : i1 to i32
    %cond3A_9 = arith.constant 0 : i32
    %cond3A_10 = arith.cmpi ne, %convert_element_type3A_8, %cond3A_9 : i32
    scf.if %cond3A_10 {
      %mul3A = arith.constant 32768 : i32
      %mul3A_11 = arith.muli %arg0, %mul3A : i32
      %iota3A = tpu.iota {dimensions = array<i32: 1>} : vector<1x32768xi32>
      %add3A = vector.broadcast %mul3A_11 : i32 to vector<1x32768xi32>
      %add3A_12 = arith.addi %add3A, %iota3A : vector<1x32768xi32>
      %lt3A_13 = arith.constant 1000000 : i32
      %lt3A_14 = vector.broadcast %lt3A_13 : i32 to vector<1x32768xi32>
      %lt3A_15 = arith.cmpi slt, %add3A_12, %lt3A_14 : vector<1x32768xi32>
      %get3A = arith.constant 0 : index
      %get3A_16 = vector.load %arg2[%get3A] : memref<32768xf32, #tpu.memory_space<vmem>>, vector<32768xf32>
      %get3A_17 = arith.constant 0 : index
      %get3A_18 = vector.load %arg3[%get3A_17] : memref<32768xf32, #tpu.memory_space<vmem>>, vector<32768xf32>
      %add3A_19 = arith.addf %get3A_16, %get3A_18 : vector<32768xf32>
      %reshape3A = vector.shape_cast %add3A_19 : vector<32768xf32> to vector<1x32768xf32>
      %jit3A = arith.constant 0.000000e+00 : f32
      %broadcast_in_dim3A = vector.broadcast %jit3A : f32 to vector<1x32768xf32>
      %select_n3A = arith.select %lt3A_15, %reshape3A, %broadcast_in_dim3A : vector<1x32768xi1>, vector<1x32768xf32>
      %get3A_20 = arith.constant 0 : index
      %get3A_21 = arith.constant 0 : index
      %get3A_22 = vector.load %arg1[%get3A_20, %get3A_21] : memref<64x32768xf32, #tpu.memory_space<vmem>>, vector<64x32768xf32>
      %jit3A_23 = arith.constant 0.000000e+00 : f32
      %broadcast_in_dim3A_24 = vector.shape_cast %lt3A_15 : vector<1x32768xi1> to vector<1x32768xi1>
      %broadcast_in_dim3A_25 = vector.broadcast %broadcast_in_dim3A_24 : vector<1x32768xi1> to vector<64x32768xi1>
      %broadcast_in_dim3A_26 = vector.broadcast %jit3A_23 : f32 to vector<64x32768xf32>
      %select_n3A_27 = arith.select %broadcast_in_dim3A_25, %get3A_22, %broadcast_in_dim3A_26 : vector<64x32768xi1>, vector<64x32768xf32>
      %get3A_28 = arith.constant 0 : index
      %get3A_29 = arith.constant 0 : index
      %get3A_30 = vector.load %arg11[%get3A_28, %get3A_29] : memref<1x64xf32, #tpu.memory_space<vmem>>, vector<1x64xf32>
      %dot_general3A = arith.constant dense<0.000000e+00> : vector<1x64xf32>
      %dot_general3A_31 = tpu.matmul %select_n3A, %select_n3A_27, %dot_general3A {dimension_numbers = #tpu.dot_dimension_numbers<[1], [1], [0], [0], [0, 0, 1, 0], [], []>, transpose_lhs_hint = false} : vector<1x32768xf32>, vector<64x32768xf32>, vector<1x64xf32> -> vector<1x64xf32>
      %add3A_32 = arith.addf %get3A_30, %dot_general3A_31 : vector<1x64xf32>
      %get3A_33 = arith.constant 0 : index
      %get3A_34 = arith.constant 0 : index
      %get3A_35 = vector.load %arg4[%get3A_33, %get3A_34] : memref<512x64xf32, #tpu.memory_space<vmem>>, vector<512x64xf32>
      %dot_general3A_36 = arith.constant dense<0.000000e+00> : vector<1x512xf32>
      %dot_general3A_37 = tpu.matmul %add3A_32, %get3A_35, %dot_general3A_36 {dimension_numbers = #tpu.dot_dimension_numbers<[1], [1], [0], [0], [0, 0, 1, 0], [], []>, precision = #tpu.contract_precision<fp32>, transpose_lhs_hint = false} : vector<1x64xf32>, vector<512x64xf32>, vector<1x512xf32> -> vector<1x512xf32>
      %get3A_38 = arith.constant 0 : index
      %get3A_39 = arith.constant 0 : index
      %get3A_40 = vector.load %arg5[%get3A_38, %get3A_39] : memref<1x512xf32, #tpu.memory_space<vmem>>, vector<1x512xf32>
      %add3A_41 = arith.addf %dot_general3A_37, %get3A_40 : vector<1x512xf32>
      %tanh3A = math.tanh %add3A_41 : vector<1x512xf32>
      %get3A_42 = arith.constant 0 : index
      %get3A_43 = arith.constant 0 : index
      %get3A_44 = vector.load %arg6[%get3A_42, %get3A_43] : memref<512x512xf32, #tpu.memory_space<vmem>>, vector<512x512xf32>
      %dot_general3A_45 = arith.constant dense<0.000000e+00> : vector<1x512xf32>
      %dot_general3A_46 = tpu.matmul %tanh3A, %get3A_44, %dot_general3A_45 {dimension_numbers = #tpu.dot_dimension_numbers<[1], [1], [0], [0], [0, 0, 1, 0], [], []>, precision = #tpu.contract_precision<fp32>, transpose_lhs_hint = false} : vector<1x512xf32>, vector<512x512xf32>, vector<1x512xf32> -> vector<1x512xf32>
      %get3A_47 = arith.constant 0 : index
      %get3A_48 = arith.constant 0 : index
      %get3A_49 = vector.load %arg7[%get3A_47, %get3A_48] : memref<1x512xf32, #tpu.memory_space<vmem>>, vector<1x512xf32>
      %add3A_50 = arith.addf %dot_general3A_46, %get3A_49 : vector<1x512xf32>
      %tanh3A_51 = math.tanh %add3A_50 : vector<1x512xf32>
      %get3A_52 = arith.constant 0 : index
      %get3A_53 = arith.constant 0 : index
      %get3A_54 = vector.load %arg8[%get3A_52, %get3A_53] : memref<1000x512xf32, #tpu.memory_space<vmem>>, vector<1000x512xf32>
      %dot_general3A_55 = arith.constant dense<0.000000e+00> : vector<1x1000xf32>
      %dot_general3A_56 = tpu.matmul %tanh3A_51, %get3A_54, %dot_general3A_55 {dimension_numbers = #tpu.dot_dimension_numbers<[1], [1], [0], [0], [0, 0, 1, 0], [], []>, precision = #tpu.contract_precision<fp32>, transpose_lhs_hint = false} : vector<1x512xf32>, vector<1000x512xf32>, vector<1x1000xf32> -> vector<1x1000xf32>
      %get3A_57 = arith.constant 0 : index
      %get3A_58 = arith.constant 0 : index
      %get3A_59 = vector.load %arg9[%get3A_57, %get3A_58] : memref<1x1000xf32, #tpu.memory_space<vmem>>, vector<1x1000xf32>
      %add3A_60 = arith.addf %dot_general3A_56, %get3A_59 : vector<1x1000xf32>
      %swap3A = arith.constant 0 : index
      %swap3A_61 = arith.constant 0 : index
      %swap3A_62 = vector.load %arg10[%swap3A, %swap3A_61] : memref<1x1000xf32, #tpu.memory_space<vmem>>, vector<1x1000xf32>
      tpu.vector_store %arg10[%swap3A, %swap3A_61], %add3A_60 {strides = array<i32>} : memref<1x1000xf32, #tpu.memory_space<vmem>>, vector<1x1000xf32>,
    } else {
    }
    return
  }
  func.func @transform_0(%arg0: i32) -> (i32, i32) {
    %c0_i32 = arith.constant 0 : i32
    %c0_i32_0 = arith.constant 0 : i32
    return %c0_i32, %arg0 : i32, i32
  }
  func.func @transform_1(%arg0: i32) -> i32 {
    %c0_i32 = arith.constant 0 : i32
    return %arg0 : i32
  }
  func.func @transform_2(%arg0: i32) -> i32 {
    %add3A = arith.constant 31 : i32
    %add3A_0 = arith.addi %add3A, %arg0 : i32
    %c0_i32 = arith.constant 0 : i32
    return %add3A_0 : i32
  }
  func.func @transform_3(%arg0: i32) -> (i32, i32) {
    %c0_i32 = arith.constant 0 : i32
    %c0_i32_0 = arith.constant 0 : i32
    %c0_i32_1 = arith.constant 0 : i32
    return %c0_i32, %c0_i32_0 : i32, i32
  }
  func.func @transform_4(%arg0: i32) -> (i32, i32) {
    %c0_i32 = arith.constant 0 : i32
    %c0_i32_0 = arith.constant 0 : i32
    %c0_i32_1 = arith.constant 0 : i32
    return %c0_i32, %c0_i32_0 : i32, i32
  }
  func.func @transform_5(%arg0: i32) -> (i32, i32) {
    %c0_i32 = arith.constant 0 : i32
    %c0_i32_0 = arith.constant 0 : i32
    %c0_i32_1 = arith.constant 0 : i32
    return %c0_i32, %c0_i32_0 : i32, i32
  }
  func.func @transform_6(%arg0: i32) -> (i32, i32) {
    %c0_i32 = arith.constant 0 : i32
    %c0_i32_0 = arith.constant 0 : i32
    %c0_i32_1 = arith.constant 0 : i32
    return %c0_i32, %c0_i32_0 : i32, i32
  }
  func.func @transform_7(%arg0: i32) -> (i32, i32) {
    %c0_i32 = arith.constant 0 : i32
    %c0_i32_0 = arith.constant 0 : i32
    %c0_i32_1 = arith.constant 0 : i32
    return %c0_i32, %c0_i32_0 : i32, i32
  }
  func.func @transform_8(%arg0: i32) -> (i32, i32) {
    %c0_i32 = arith.constant 0 : i32
    %c0_i32_0 = arith.constant 0 : i32
    %c0_i32_1 = arith.constant 0 : i32
    return %c0_i32, %c0_i32_0 : i32, i32
  }
  func.func @transform_9(%arg0: i32) -> (i32, i32) {
    %c0_i32 = arith.constant 0 : i32
    %c0_i32_0 = arith.constant 0 : i32
    %c0_i32_1 = arith.constant 0 : i32
    return %c0_i32, %c0_i32_0 : i32, i32
  }
}

</mosaic_0001>

<sc_bundles>
// kernel: kernel.4.cloned.1.call-start
scs
__scs_entry_jumppad:
0x0: {  	(pc) =	sbr.rel $0x88, $3  }
0x1: {  	(tag) =	ssettag $0x0;
	lr =	simm.s32 $0x1  }
0x2: {  	[smem:$0x3F99] =	sst lr;
	_ =	strace $0xD0000000  }
0x3: {  	_ = 	snop  }
0x4: {  	_ = 	snop  }
0x5: {  	_ = 	snop  }
0x6: {  	_ = 	snop  }
0x7: {  	_ = 	snop  }
__scs_overlays_trampoline_lowered:
0x8: {  	[smem:$0x3FA8] =	sst s0  }
0x9: {  	[smem:$0x3FA9] =	sst s1  }
0xa: {  	[smem:$0x3FAA] =	sst s2  }
0xb: {  	[smem:$0x3FAB] =	sst s3  }
0xc: {  	[smem:$0x3FAC] =	sst s4  }
0xd: {  	[smem:$0x3FAD] =	sst s5  }
0xe: {  	[smem:$0x3FAE] =	sst s6  }
0xf: {  	[smem:$0x3FAF] =	sst s7  }
0x10: {  	[smem:$0x3FB0] =	sst s8  }
0x11: {  	[smem:$0x3FB1] =	sst s9;
	s0 =	simm.s32 @!p0 $0x0  }
0x12: {  	s1 =	sld [smem:$0x3F97];
	s0 =	simm.s32 @p0 $0x1  }
0x13: {  	[smem:$0x3FB2] =	sst s0;
	s0 =	simm.s32 @!p1 $0x0  }
0x14: {  	s2 =	sld [smem:$0x3F96];
	s0 =	simm.s32 @p1 $0x1  }
0x15: {  	[smem:$0x3FB3] =	sst s0;
	s0 =	simm.s32 @!p2 $0x0  }
0x16: {  	s3 =	sld [smem:$0x3FDB];
	s0 =	simm.s32 @p2 $0x1  }
0x17: {  	s4 =	simm.s32 $0x1BF5;
	[smem:$0x3FB5] =	sst s0  }
0x18: {  	s0 =	sld [smem:$0x3F98];
	_ =	swait.ge [sflag:s4], $0x0  }
0x19: {  	s7 =	sld [smem:$0x3F99]  }
0x1a: {  	s8 =	sadd.s32 $0xFFFFE003, lr  }
0x1b: {  	s9 =	sadd.s32 $0xFFFFFEF7, lr;
	s5 =	simm.s32 $0xFFFFFFFF;
	p2 =	slt.u32 s8, $0xFFFFF086  }
0x1c: {  	p1 =	slt.u32 s9, $0xF7A;
	s5 =	simm.s32 @!p2 $0x0  }
0x1d: {  	s5 =	simm.s32 @p1 $0x1;
	p0 =	seq.s32 s7, s2  }
0x1e: {  	s7 =	smul.u32 @!p0 $0xF7A, s2;
	p2 =	seq.s32 @!p0 s5, $0x0  }
0x1f: {  	s9 =	smul.u32 $0xF7A, s1;
	s8 =	simm.s32 @!p0 $0x1BF5;
	p2 =	por !p2, p0  }
0x20: {  	[sflag:s8] =	ssyncset.s32 @!p0 $0xFFFFF086;
	s6 =	sadd.s32 @!p0 s3, s7;
	s7 =	simm.s32 @!p0 $0x108  }
0x21: {  	s3 =	sadd.s32 s3, s9;
	s6 =	sadd.s32 @!p0 $0x88, s6;
	s7 =	simm.s32 @p2 $0x1082  }
0x22: {  	[simem:s7], [sflag:s8] =	dma.local @!p0 [hbm:s6], $0xF7A  }
0x23: {  	s9 =	sor.u32 $0xD0000000, s2;
	s6 =	simm.s32 $0x108;
	_ =	swait.ge @!p0 [sflag:s8], $0x0  }
0x24: {  	s3 =	sadd.s32 $0x88, s3;
	s6 =	simm.s32 @!p1 $0x1082;
	[sflag:s4] =	ssyncset.s32 $0xFFFFF086  }
0x25: {  	[simem:s6], [sflag:s4] =	dma.local [hbm:s3], $0xF7A  }
0x26: {  	[smem:$0x3F99] =	sst s1;
	(tag) =	ssettag s2;
	_ =	strace s9  }
0x27: {  	s1 =	sld [smem:$0x3FA9]  }
0x28: {  	s2 =	sld [smem:$0x3FAA]  }
0x29: {  	s4 =	sld [smem:$0x3FAC]  }
0x2a: {  	p0 =	seq.s32 s5, $0x0;
	s5 =	sld [smem:$0x3FAD]  }
0x2b: {  	s6 =	sld [smem:$0x3FAE]  }
0x2c: {  	s7 =	sld [smem:$0x3FAF]  }
0x2d: {  	s3 =	simm.s32 $0x108;
	s8 =	sld [smem:$0x3FB0]  }
0x2e: {  	s3 =	simm.s32 @!p0 $0x1082;
	s9 =	sld [smem:$0x3FB1]  }
0x2f: {  	lr =	sadd.s32 s0, s3;
	s0 =	sld [smem:$0x3FA8]  }
0x30: {  	s3 =	sld [smem:$0x3FAB]  }
0x31: {  	[smem:$0x3FB4] =	sst s10  }
0x32: {  	s10 =	sld [smem:$0x3FB2];
	_ =	sdelay $0x3  }
0x33: {  	p0 =	seq.s32 s10, $0x1;
	s10 =	sld [smem:$0x3FB4];
	_ =	sdelay $0x3  }
0x34: {  	[smem:$0x3FB4] =	sst s10  }
0x35: {  	s10 =	sld [smem:$0x3FB3];
	_ =	sdelay $0x3  }
0x36: {  	p1 =	seq.s32 s10, $0x1;
	s10 =	sld [smem:$0x3FB4];
	_ =	sdelay $0x3  }
0x37: {  	[smem:$0x3FB4] =	sst s10  }
0x38: {  	s10 =	sld [smem:$0x3FB5]  }
0x39: {  	_ = 	snop;
	(pc) =	sbr.ind lr, $3  }
0x3a: {  	_ = 	snop  }
0x3b: {  	_ = 	snop  }
0x3c: {  	p2 =	seq.s32 s10, $0x1;
	s10 =	sld [smem:$0x3FB4]  }
0x3d: {  	_ =	shalt  }
0x3e: {  	_ =	shalt  }
0x3f: {  	_ =	shalt  }
0x40: {  	_ =	shalt  }
0x41: {  	_ =	shalt  }
0x42: {  	_ =	shalt  }
0x43: {  	_ =	shalt  }
0x44: {  	_ =	shalt  }
0x45: {  	_ =	shalt  }
0x46: {  	_ =	shalt  }
0x47: {  	_ =	shalt  }
0x48: {  	_ =	shalt  }
0x49: {  	_ =	shalt  }
0x4a: {  	_ =	shalt  }
0x4b: {  	_ =	shalt  }
0x4c: {  	_ =	shalt  }
0x4d: {  	_ =	shalt  }
0x4e: {  	_ =	shalt  }
0x4f: {  	_ =	shalt  }
0x50: {  	_ =	shalt  }
0x51: {  	_ =	shalt  }
0x52: {  	_ =	shalt  }
0x53: {  	_ =	shalt  }
0x54: {  	_ =	shalt  }
0x55: {  	_ =	shalt  }
0x56: {  	_ =	shalt  }
0x57: {  	_ =	shalt  }
0x58: {  	_ =	shalt  }
0x59: {  	_ =	shalt  }
0x5a: {  	_ =	shalt  }
0x5b: {  	_ =	shalt  }
0x5c: {  	_ =	shalt  }
0x5d: {  	_ =	shalt  }
0x5e: {  	_ =	shalt  }
0x5f: {  	_ =	shalt  }
0x60: {  	_ =	shalt  }
0x61: {  	_ =	shalt  }
0x62: {  	_ =	shalt  }
0x63: {  	_ =	shalt  }
0x64: {  	_ =	shalt  }
0x65: {  	_ =	shalt  }
0x66: {  	_ =	shalt  }
0x67: {  	_ =	shalt  }
0x68: {  	_ =	shalt  }
0x69: {  	_ =	shalt  }
0x6a: {  	_ =	shalt  }
0x6b: {  	_ =	shalt  }
0x6c: {  	_ =	shalt  }
0x6d: {  	_ =	shalt  }
0x6e: {  	_ =	shalt  }
0x6f: {  	_ =	shalt  }
0x70: {  	_ =	shalt  }
0x71: {  	_ =	shalt  }
0x72: {  	_ =	shalt  }
0x73: {  	_ =	shalt  }
0x74: {  	_ =	shalt  }
0x75: {  	_ =	shalt  }
0x76: {  	_ =	shalt  }
0x77: {  	_ =	shalt  }
0x78: {  	_ =	shalt  }
0x79: {  	_ =	shalt  }
0x7a: {  	_ =	shalt  }
0x7b: {  	_ =	shalt  }
0x7c: {  	_ =	shalt  }
0x7d: {  	_ =	shalt  }
0x7e: {  	_ =	shalt  }
0x7f: {  	_ =	shalt  }
0x80: {  	_ =	shalt  }
0x81: {  	_ =	shalt  }
0x82: {  	_ =	shalt  }
0x83: {  	_ =	shalt  }
0x84: {  	_ =	shalt  }
0x85: {  	_ =	shalt  }
0x86: {  	_ =	shalt  }
0x87: {  	_ =	shalt  }
.Lfunc_end0:
.L_simem_size_0:
called_computation_lowered:
.L_overlay_start_0:
0x88: {  	s2 =	sld [smem:$0x3FD9]  }
0x89: {  	s3 =	sld [smem:$0x3FFE];
	_ =	sdelay $0x1  }
0x8a: {  	s1 =	srdreg.scid  }
0x8b: {  	s0 =	sand.u32 $0x1, s1  }
0x8c: {  	s17 =	sshll.u32 s0, $0xA;
	s2 =	sadd.s32 s3, s2  }
0x8d: {  	s2 =	sadd.s32 s2, s17  }
0x8e: {  	[smem:$0x3FC0] =	sst s2  }
0x8f: {  	_ = 	snop  }
0x90: {  	s2 =	sld [smem:$0x3FC9];
	(tm) =	ssettm $0x1  }
0x91: {  	s18 =	sld [smem:$0x3FFB];
	_ =	sdelay $0x3  }
0x92: {  	_ =	strace s18  }
0x93: {  	s3 =	sld [smem:$0x3FFC];
	_ =	sdelay $0x3  }
0x94: {  	_ =	strace s3  }
0x95: {  	s3 =	sld [smem:$0x3FFD];
	_ =	sdelay $0x3  }
0x96: {  	_ =	strace s3  }
0x97: {  	_ =	strace $0x8FFFFFFF  }
0x98: {  	s19 =	sld [smem:$0x3FDB];
	_ =	sdelay $0x1  }
0x99: {  	s4 =	simm.s32 $_scs_section_size  }
0x9a: {  	s5 =	simm.s32 $_size__tile_overlayer_lowered;
	s6 =	simm.s32 $_tile_overlayer_lowered  }
0x9b: {  	s22 =	simm.s32 $0x1BFF;
	s21 =	sshll.u32 s6, $0x1;
	s3 =	sadd.s32 s4, s19  }
0x9c: {  	s7 =	simm.s32 $0x0;
	s20 =	sshll.u32 s5, $0x1;
	s5 =	sadd.s32 s21, s3  }
0x9d: {  	[timem:s7], [sflag:s22] =	dma.local [hbm:s5], s20  }
0x9e: {  	_ =	swait.ge [sflag:s22], s20  }
0x9f: {  	s4 =	ssub.s32 $0x0, s20;
	[sflag:s22] =	ssyncset.done $0x0  }
0xa0: {  	[sflag:s22] =	ssyncadd.s32 s4;
	_ =	sdelay $0x1  }
0xa1: {  	s23 =	simm.s32 $0x1B8B  }
0xa2: {  	_ =	swait.ge [sflag:s23], $0x1  }
0xa3: {  	[sflag:s23] =	ssyncset.done $0x0  }
0xa4: {  	s25 =	simm.s32 $0x1B8E;
	s24 =	sld [smem:$0x3FFE];
	[sflag:s23] =	ssyncadd.s32 $0xFFFFFFFF  }
0xa5: {  	s26 =	simm.s32 $execute0_lowered;
	[smem:$0x3FD2] =	sst s25  }
0xa6: {  	s5 =	sshll.u32 s26, $0x1;
	_ =	strace $0x80000046;
	[dreg:$0x1] =	wrdreg $0xFFFFFFFF  }
0xa7: {  	s28 =	simm.s32 $_size_execute0_lowered;
	s3 =	sadd.s32 s3, s5;
	[dreg:$0x0] =	wrdreg $0x0  }
0xa8: {  	s5 =	sshll.u32 s28, $0x1;
	[dreg:$0x2] =	wrdreg s3  }
0xa9: {  	[dreg:$0x3] =	wrdreg s5  }
0xaa: {  	[dreg:$0x4] =	wrdreg $0xC0  }
0xab: {  	_ =	task [dreg:s7], $0x5FFFF  }
0xac: {  	[dreg:$0x1] =	wrdreg $0xFFFFFFFF  }
0xad: {  	[dreg:$0x0] =	wrdreg $0x60  }
0xae: {  	[dreg:$0x2] =	wrdreg s2  }
0xaf: {  	[dreg:$0x3] =	wrdreg s24  }
0xb0: {  	[dreg:$0x4] =	wrdreg $0x4000  }
0xb1: {  	[dreg:$0x5] =	wrdreg $0x9  }
0xb2: {  	_ =	task.clear_ibuf [dreg:s7], $0x6FFFF;
	_ =	strace $0x90000046  }
0xb3: {  	s29 =	simm.s32 $0x9;
	_ =	strace $0x80000048  }
0xb4: {  	_ =	swait.ge [sflag:s29], $0x1  }
0xb5: {  	[sflag:s29] =	ssyncadd.s32 $0xFFFFFFFF  }
0xb6: {  	_ =	strace $0x90000048  }
0xb7: {  	_ =	sfence  }
0xb8: {  	s30 =	sld [smem:$0x0];
	_ =	sdelay $0x2  }
0xb9: {  	s31 =	sshll.u32 s1, $0xD;
	s1 =	sshrl.u32 s1, $0x2  }
0xba: {  	s3 =	sand.u32 $0x4000, s31;
	s1 =	sadd.s32 s1, s30  }
0xbb: {  	s0 =	sor.u32 s3, s0;
	s1 =	sshll.u32 s1, $0x11  }
0xbc: {  	s0 =	sor.u32 s1, s0  }
0xbd: {  	s0 =	sadd.s32 $0x8F2B, s0  }
0xbe: {  	[sflag:s0] =	ssyncadd.remote.s32 $0x1  }
0xbf: {  	_ =	sfence.sel $0xFFFF  }
0xc0: {  	[dreg:$0x0] =	wrdreg $0xFFFFFFFF;
	(pc) =	sbr.abs _section_cstart, $3  }
0xc1: {  	[dreg:$0x1] =	wrdreg $0xFFFFFFFF  }
0xc2: {  	_ =	task.clear_ibuf [dreg:s7], $0x2FFFF;
	_ =	strace $0x9FFFFFFF  }
0xc3: {  	(tm) =	ssettm $0x7FFFFFFF  }
tec
execute0_lowered:
.L_overlay_start_1:
0x0: {  	(tag) =	ssettag $0x1  }
0x1: {  	s4 =	rddreg [dreg:$0x0]  }
0x2: {  	s5 =	rddreg [dreg:$0x1];
	s1 =	srdreg.scid  }
0x3: {  	s2 =	rddreg [dreg:$0x2];
	s6 =	sand.u32 $0x1, s1  }
0x4: {  	s3 =	simm.s32 $0x0;
	s1 =	stileid.u32;
	s7 =	sshll.u32 s6, $0x6  }
0x5: {  	[smem:$0x7FF] =	sst s3;
	s8 =	sshll.u32 s1, $0x7;
	s4 =	sadd.s32 s4, s7  }
0x6: {  	s0 =	rddreg [dreg:$0x3];
	_ =	strace $0x80000047;
	s4 =	sadd.s32 s8, s4  }
0x7: {  	v0 =	vimm.f32 $1.000000000e+00;
	[tilespmem:s3], [sflag:$0x1] =	stream.linear.gather [hbm4b:s4+s3], $0x200, $0x38;
	[tilespmem:$0xF828] =	vst v63  }
0x8: {  	[tilespmem:$0x3F0] =	vst v0  }
0x9: {  	[tilespmem:$0x3E0] =	vst v0  }
0xa: {  	[tilespmem:$0x3D0] =	vst v0  }
0xb: {  	[tilespmem:$0x3C0] =	vst v0  }
0xc: {  	[tilespmem:$0x3B0] =	vst v0  }
0xd: {  	[tilespmem:$0x3A0] =	vst v0  }
0xe: {  	[tilespmem:$0x390] =	vst v0  }
0xf: {  	[tilespmem:$0x380] =	vst v0  }
0x10: {  	[tilespmem:$0x370] =	vst v0  }
0x11: {  	[tilespmem:$0x360] =	vst v0  }
0x12: {  	[tilespmem:$0x350] =	vst v0  }
0x13: {  	[tilespmem:$0x340] =	vst v0  }
0x14: {  	[tilespmem:$0x330] =	vst v0  }
0x15: {  	[tilespmem:$0x320] =	vst v0  }
0x16: {  	s26 =	ssub.s32 $0x2, s6;
	[tilespmem:$0x310] =	vst v0  }
0x17: {  	s9 =	sshrl.u32 s26, $0x1;
	[tilespmem:$0x300] =	vst v0  }
0x18: {  	s9 =	ssub.s32 s26, s9;
	[tilespmem:$0x2F0] =	vst v0  }
0x19: {  	s13 =	simm.s32 $0x1;
	s12 =	simm.s32 $0x200;
	s31 =	smax.u32 s9, $0x1;
	[tilespmem:$0x2E0] =	vst v0  }
0x1a: {  	s11 =	sadd.s32 $0x3200, s5;
	s28 =	smul.u32 $0xF8000, s6;
	[tilespmem:$0x2D0] =	vst v0;
	s14 =	sadd.s32 $0xFFFFFFFF, s31  }
0x1b: {  	s6 =	sadd.s32 $0x1200, s5;
	s10 =	sshll.u32 s1, $0x10;
	[tilespmem:$0x2C0] =	vst v0;
	p1 =	sne.s32 s14, $0x0  }
.Ltmp0:
0x1c: {  	p0 =	seq.s32 s1, $0xF;
	s29 =	sadd.s32 s10, s28;
	[tilespmem:$0x2B0] =	vst v0;
	(pc) =	sbr.rel @!p1 .LBB2_2-.Ltmp0, $4  }
0x1d: {  	s10 =	sadd.s32 s10, s2;
	s30 =	sshrl.u32 s28, $0x3;
	s8 =	sadd.s32 $0xF0000, s2;
	[tilespmem:$0x2A0] =	vst v0  }
0x1e: {  	s5 =	sshrl.u32 s29, $0x3;
	s7 =	sadd.s32 s11, s30;
	s9 =	sshrl.u32 @p0 s8, $0x3;
	[tilespmem:$0x290] =	vst v0  }
0x1f: {  	s8 =	sshll.u32 @!p0 s1, $0x6;
	s10 =	sshrl.u32 @!p0 s10, $0x3;
	s5 =	sadd.s32 s11, s5;
	[tilespmem:$0x280] =	vst v0  }
0x20: {  	s7 =	sadd.s32 $0x1E000, s7;
	s8 =	sor.u32 @!p0 $0x1C02, s8;
	s11 =	simm.s32 $0x2;
	[tilespmem:$0x270] =	vst v0  }
.LBB2_1:
0x21: {  	s14 =	sadd.s32 $0xFFFFFFFF, s14;
	[tilespmem:$0x260] =	vst v0  }
0x22: {  	p1 =	sne.s32 s14, $0x0;
	[tilespmem:$0x250] =	vst v0  }
0x23: {  	[tilespmem:$0x240] =	vst v0  }
0x24: {  	[tilespmem:$0x230] =	vst v0  }
0x25: {  	[tilespmem:$0x220] =	vst v0  }
0x26: {  	s15 =	simm.s32 @p0 $0x1FC2;
	[tilespmem:$0x200] =	vst v0  }
0x27: {  	s16 =	simm.s32 @p0 $0x2;
	[tilespmem:$0x210] =	vst v0  }
0x28: {  	[spmem:s9], [sflag:s15] =	dma.local @p0 [hbm:s6], $0x848  }
0x29: {  	_ =	swait.ge @p0 [sflag:s16], $0x848  }
0x2a: {  	[sflag:s16] =	ssyncset.done @p0 $0x0  }
0x2b: {  	s17 =	simm.s32 @!p0 $0x2;
	[sflag:s16] =	ssyncadd.s32 @p0 $0xFFFFF7B8  }
0x2c: {  	[spmem:s10], [sflag:s8] =	dma.local @!p0 [hbm:s6], $0x2000  }
0x2d: {  	_ =	swait.ge @!p0 [sflag:s17], $0x2000  }
0x2e: {  	[sflag:s17] =	ssyncset.done @!p0 $0x0  }
0x2f: {  	[sflag:s17] =	ssyncadd.s32 @!p0 $0xFFFFE000  }
0x30: {  	_ =	swait.ge [sflag:s13], $0x200  }
0x31: {  	[sflag:s13] =	ssyncset.done $0x0  }
0x32: {  	[sflag:s13] =	ssyncadd.s32 $0xFFFFFE00  }
0x33: {  	[bflag:$0x0] =	sbarrier.arrive $0xFFFF  }
0x34: {  	[spmem:s2] =	stream.indirect.scatter.add.f32 [tilespmem:s12], [sflag:$0x2], $0x1, s3, s12, $0xb8;
	[tilespmem:$0xF828] =	vst v63  }
0x35: {  	_ =	swait.ge [sflag:s11], $0x200  }
0x36: {  	[sflag:s11] =	ssyncset.done $0x0  }
0x37: {  	[sflag:s11] =	ssyncadd.s32 $0xFFFFFE00  }
0x38: {  	[bflag:$0x0] =	sbarrier.arrive $0xFFFF  }
0x39: {  	[hbm:s7], [sflag:s15] =	dma.local @p0 [spmem:s9], $0x848  }
0x3a: {  	_ =	swait.ge @p0 [sflag:s16], $0x848  }
0x3b: {  	[sflag:s16] =	ssyncset.done @p0 $0x0  }
0x3c: {  	[sflag:s16] =	ssyncadd.s32 @p0 $0xFFFFF7B8  }
0x3d: {  	[hbm:s5], [sflag:s8] =	dma.local @!p0 [spmem:s10], $0x2000  }
0x3e: {  	_ =	swait.ge @!p0 [sflag:s17], $0x2000  }
0x3f: {  	[sflag:s17] =	ssyncset.done @!p0 $0x0  }
0x40: {  	[sflag:s17] =	ssyncadd.s32 @!p0 $0xFFFFE000  }
0x41: {  	[tilespmem:s3], [sflag:$0x1] =	stream.linear.gather [hbm4b:s4+s3], $0x200, $0x38;
	[tilespmem:$0xF828] =	vst v63  }
0x42: {  	[tilespmem:$0x3F0] =	vst v0  }
0x43: {  	[tilespmem:$0x3E0] =	vst v0  }
0x44: {  	[tilespmem:$0x3D0] =	vst v0  }
0x45: {  	[tilespmem:$0x3C0] =	vst v0  }
0x46: {  	[tilespmem:$0x3B0] =	vst v0  }
0x47: {  	[tilespmem:$0x3A0] =	vst v0  }
0x48: {  	[tilespmem:$0x390] =	vst v0  }
0x49: {  	[tilespmem:$0x380] =	vst v0  }
0x4a: {  	[tilespmem:$0x370] =	vst v0  }
0x4b: {  	[tilespmem:$0x360] =	vst v0  }
0x4c: {  	[tilespmem:$0x350] =	vst v0  }
0x4d: {  	[tilespmem:$0x340] =	vst v0  }
0x4e: {  	[tilespmem:$0x330] =	vst v0  }
0x4f: {  	[tilespmem:$0x320] =	vst v0  }
0x50: {  	[tilespmem:$0x310] =	vst v0  }
0x51: {  	[tilespmem:$0x300] =	vst v0  }
0x52: {  	[tilespmem:$0x2F0] =	vst v0  }
0x53: {  	[tilespmem:$0x2E0] =	vst v0  }
0x54: {  	[tilespmem:$0x2D0] =	vst v0  }
0x55: {  	[tilespmem:$0x2C0] =	vst v0  }
.Ltmp1:
0x56: {  	[tilespmem:$0x2B0] =	vst v0;
	(pc) =	sbr.rel @p1 .LBB2_1-.Ltmp1, $4  }
0x57: {  	[tilespmem:$0x2A0] =	vst v0  }
0x58: {  	[tilespmem:$0x290] =	vst v0  }
0x59: {  	[tilespmem:$0x280] =	vst v0  }
0x5a: {  	[tilespmem:$0x270] =	vst v0  }
.LBB2_2:
0x5b: {  	[tilespmem:$0x260] =	vst v0  }
0x5c: {  	[tilespmem:$0x250] =	vst v0  }
0x5d: {  	[tilespmem:$0x240] =	vst v0  }
0x5e: {  	[tilespmem:$0x230] =	vst v0  }
0x5f: {  	[tilespmem:$0x220] =	vst v0  }
0x60: {  	[tilespmem:$0x200] =	vst v0  }
0x61: {  	s4 =	simm.s32 @p0 $0x1FC2;
	[tilespmem:$0x210] =	vst v0;
	s14 =	simm.s32 @p0 $0x2  }
0x62: {  	[spmem:s9], [sflag:s4] =	dma.local @p0 [hbm:s6], $0x848  }
0x63: {  	_ =	swait.ge @p0 [sflag:s14], $0x848  }
0x64: {  	[sflag:s14] =	ssyncset.done @p0 $0x0  }
0x65: {  	s15 =	simm.s32 @!p0 $0x2;
	[sflag:s14] =	ssyncadd.s32 @p0 $0xFFFFF7B8  }
0x66: {  	[spmem:s10], [sflag:s8] =	dma.local @!p0 [hbm:s6], $0x2000  }
0x67: {  	_ =	swait.ge @!p0 [sflag:s15], $0x2000  }
0x68: {  	[sflag:s15] =	ssyncset.done @!p0 $0x0  }
0x69: {  	[sflag:s15] =	ssyncadd.s32 @!p0 $0xFFFFE000  }
0x6a: {  	_ =	swait.ge [sflag:s13], $0x200  }
0x6b: {  	[sflag:s13] =	ssyncset.done $0x0  }
0x6c: {  	[sflag:s13] =	ssyncadd.s32 $0xFFFFFE00  }
0x6d: {  	[bflag:$0x0] =	sbarrier.arrive $0xFFFF  }
0x6e: {  	[spmem:s2] =	stream.indirect.scatter.add.f32 [tilespmem:s12], [sflag:$0x2], $0x1, s3, s12, $0xb8;
	[tilespmem:$0xF828] =	vst v63  }
0x6f: {  	_ =	swait.ge [sflag:s11], $0x200  }
0x70: {  	[sflag:s11] =	ssyncset.done $0x0  }
0x71: {  	[sflag:s11] =	ssyncadd.s32 $0xFFFFFE00  }
0x72: {  	[bflag:$0x0] =	sbarrier.arrive $0xFFFF  }
0x73: {  	[hbm:s7], [sflag:s4] =	dma.local @p0 [spmem:s9], $0x848  }
0x74: {  	_ =	swait.ge @p0 [sflag:s14], $0x848  }
0x75: {  	[sflag:s14] =	ssyncset.done @p0 $0x0  }
0x76: {  	[sflag:s14] =	ssyncadd.s32 @p0 $0xFFFFF7B8  }
0x77: {  	[hbm:s5], [sflag:s8] =	dma.local @!p0 [spmem:s10], $0x2000  }
0x78: {  	_ =	swait.ge @!p0 [sflag:s15], $0x2000  }
0x79: {  	[sflag:s15] =	ssyncset.done @!p0 $0x0  }
0x7a: {  	[sflag:s15] =	ssyncadd.s32 @!p0 $0xFFFFE000  }
0x7b: {  	_ =	sfence.sel $0x180000  }
0x7c: {  	[bflag:$0x0] =	sbarrier.arrive $0xFFFF  }
0x7d: {  	p0 =	sne.s32 s1, $0x0;
	_ =	strace $0x90000047  }
0x7e: {  	s0 =	sadd.s32 @!p0 $0x100000, s0;
	[bflag:$0x2] =	sbarrier.arrive $0xFFFF  }
0x7f: {  	[sflag:s0] =	ssyncadd.tile.s32 @!p0 $0x1;
	_ =	shalt  }
.Lfunc_end2:
_tile_overlayer_lowered:
.L_overlay_start_2:
0x80: {  	(tag) =	ssettag $0x2  }
0x81: {  	s0 =	rddreg [dreg:$0x0];
	s2 =	stileid.u32  }
0x82: {  	s1 =	rddreg [dreg:$0x1];
	p0 =	sne.s32 s2, $0x0  }
0x83: {  	s3 =	rddreg [dreg:$0x2];
	[bflag:$0x3] =	sbarrier.arrive $0xFFFF;
	s2 =	simm.s32 @!p0 $0x1C02  }
0x84: {  	[timem:s3], [sflag:s2] =	dma.local @!p0 [hbm:s0], s1  }
0x85: {  	s0 =	simm.s32 @!p0 $0x2  }
0x86: {  	_ =	swait.ge @!p0 [sflag:s0], s1  }
0x87: {  	s1 =	ssub.s32 @!p0 $0x0, s1;
	[sflag:s0] =	ssyncset.done @!p0 $0x0  }
0x88: {  	[sflag:s0] =	ssyncadd.s32 @!p0 s1  }
0x89: {  	[bflag:$0x3] =	sbarrier.arrive $0xFFFF  }
0x8a: {  	_ =	shalt  }

</sc_bundles>
